<compile_context>
chip_gen: v7x
topology: tpu7x:2x2x1
jax: 0.10.2.dev20260603
libtpu: 0.0.44.dev20260713+nightly
codegen_flags: <defaults>
</compile_context>

<pallas_src>
import functools

import jax
import jax.numpy as jnp
from jax import lax
from jax.experimental import pallas as pl
from jax.experimental.pallas import tpu as pltpu
from jax.experimental.pallas import tpu_sc as plsc

_COMMITMENT_COST = 0.25
_NC = 2
_NS = 16
_ZBUF = 32768


def _sc_zero_body(out_hbm, zbuf, sem):
    wid = lax.axis_index("s") * _NC + lax.axis_index("c")
    per_w = out_hbm.shape[0] // (_NC * _NS)
    ndma = per_w // _ZBUF
    zero = jnp.zeros((16,), jnp.float32)

    def _zset(i, _):
        zbuf[pl.ds(i * 16, 16)] = zero
        return _

    lax.fori_loop(0, _ZBUF // 16, _zset, None)
    base = wid * per_w
    for j in range(ndma):
        pltpu.make_async_copy(
            zbuf, out_hbm.at[pl.ds(base + j * _ZBUF, _ZBUF)], sem
        ).start()
    for j in range(ndma):
        pltpu.make_async_copy(
            zbuf, out_hbm.at[pl.ds(base + j * _ZBUF, _ZBUF)], sem
        ).wait()


def _sc_zero_fill(nelem):
    mesh = plsc.VectorSubcoreMesh(core_axis_name="c", subcore_axis_name="s")
    return pl.kernel(
        _sc_zero_body,
        mesh=mesh,
        out_type=jax.ShapeDtypeStruct((nelem,), jnp.float32),
        scratch_types=[
            pltpu.VMEM((_ZBUF,), jnp.float32),
            pltpu.SemaphoreType.DMA,
        ],
    )()


def _tc_reduce_body(x_ref, loss_ref, perp_ref, *, steps, scale):
    i = pl.program_id(0)
    x = x_ref[...]

    @pl.when(i == 0)
    def _init():
        loss_ref[0, 0] = 0.0
        perp_ref[0, 0] = 1.0

    xr = x.reshape(x.shape[0] // 16, 16, x.shape[1])
    loss_ref[0, 0] += jnp.sum(jnp.sum(xr * xr, axis=0))

    @pl.when(i == steps - 1)
    def _finish():
        loss_ref[0, 0] = loss_ref[0, 0] * scale


def _tc_reduce(flat, scale):
    n, d = flat.shape
    chunk = 8192
    steps = n // chunk
    return pl.pallas_call(
        functools.partial(_tc_reduce_body, steps=steps, scale=scale),
        grid=(steps,),
        in_specs=[pl.BlockSpec((chunk, d), lambda i: (i, 0))],
        out_specs=(
            pl.BlockSpec(memory_space=pltpu.SMEM),
            pl.BlockSpec(memory_space=pltpu.SMEM),
        ),
        out_shape=(
            jax.ShapeDtypeStruct((1, 1), jnp.float32),
            jax.ShapeDtypeStruct((1, 1), jnp.float32),
        ),
    )(flat)


def kernel(inputs, weight):
    b, t, d = inputs.shape
    n = b * t
    flat = inputs.reshape(n, d)
    scale = (1.0 + _COMMITMENT_COST) / float(n * d)
    quantized = _sc_zero_fill(n * d)
    loss, perplexity = _tc_reduce(flat, scale)
    return quantized.reshape(inputs.shape), loss[0, 0], perplexity[0, 0]

# --- scband reference (transcript-rebuilt; emitter-appended) ---
"""Pipeline reference for scband-vector-quantizer-22814866276990 (READ-ONLY COPY).

The authoritative reference and input builder live on the scoring server;
editing this copy changes nothing except your own understanding.
"""

import jax, jax.numpy as jnp
import numpy as np

NUM_EMBEDDINGS = 8192
EMBEDDING_DIM = 256
COMMITMENT_COST = 0.25


def setup_inputs(seed: int = 0) -> dict:
    key = jax.random.key(seed)
    k1, k2 = jax.random.split(key)
    inputs = jax.random.normal(k1, (16, 1024, EMBEDDING_DIM), dtype=jnp.float32)
    weight = jax.random.uniform(
        k2, (NUM_EMBEDDINGS, EMBEDDING_DIM),
        minval=-1.0 / NUM_EMBEDDINGS, maxval=1.0 / NUM_EMBEDDINGS,
        dtype=jnp.float32,
    )
    return {"inputs": inputs, "weight": weight}


def reference(inputs, weight):
    # flat_input = inputs.view(B, -1, embedding_dim)
    flat_input = inputs.reshape(inputs.shape[0], -1, EMBEDDING_DIM)
    # pairwise squared-distance via expansion
    distance = (
        jnp.sum(flat_input ** 2, axis=2, keepdims=True)
        + jnp.sum(weight ** 2, axis=1)
        - 2.0 * jnp.matmul(flat_input, weight.T)
    )
    encoding_indices = jnp.argmin(distance, axis=2)[..., None]
    # NOTE: the torch source calls encodings.scatter(...) (NON in-place) and
    # discards the result, so encodings remains all zeros. We replicate that
    # behavior faithfully (encoding_indices is still computed, matching torch).
    encodings = jnp.zeros(
        (flat_input.shape[0], encoding_indices.shape[1], NUM_EMBEDDINGS),
        dtype=inputs.dtype,
    )
    quantized = jnp.matmul(encodings, weight).reshape(inputs.shape)
    e_latent_loss = jnp.mean((jax.lax.stop_gradient(quantized) - inputs) ** 2)
    q_latent_loss = jnp.mean((quantized - jax.lax.stop_gradient(inputs)) ** 2)
    loss = q_latent_loss + COMMITMENT_COST * e_latent_loss
    quantized = inputs + jax.lax.stop_gradient(quantized - inputs)
    avg_probs = jnp.mean(encodings, axis=0)
    perplexity = jnp.exp(-jnp.sum(avg_probs * jnp.log(avg_probs + 1e-10)))
    return (quantized, loss, perplexity)

if __name__ == "__main__":
    import jax
    _d = setup_inputs()
    print(jax.jit(kernel)(*tuple(_d.values())))

</pallas_src>

<mosaic_0001>
#map = affine_map<(d0, d1) -> (0)>
module attributes {stable_mosaic.version = 14 : i64} {
  func.func @_sc_zero_body(%arg0: i32, %arg1: i32, %arg2: memref<4194304xf32, #tpu.memory_space<hbm>>, %arg3: memref<32768xf32, #tpu.memory_space<vmem>>, %arg4: memref<!tpu.dma_semaphore, #tpu.memory_space<semaphore_mem>>) attributes {dimension_semantics = [#tpu.dimension_semantics<core_parallel>, #tpu.dimension_semantics<subcore_parallel>], iteration_bounds = array<i64: 2, 16>, scalar_prefetch = 0 : i64, scratch_operands = 2 : i64, tpu.core_type = #tpu.core_type<sc_vector_subcore>, window_params = [{transform_indices = #map}]} {
    %mul3A = arith.constant 2 : i32
    %mul3A_0 = arith.muli %arg1, %mul3A : i32
    %add3A = arith.addi %mul3A_0, %arg0 : i32
    %broadcast_in_dim3A = arith.constant 0.000000e+00 : f32
    %broadcast_in_dim3A_1 = vector.broadcast %broadcast_in_dim3A : f32 to vector<16xf32>
    %scan3A = arith.constant 0 : i32
    %scan3A_2 = arith.constant 2048 : i32
    %scan3A_3 = arith.addi %scan3A, %scan3A_2 : i32
    %scan3A_4 = arith.constant 1 : i32
    scf.for %scan3A_38 = %scan3A to %scan3A_3 step %scan3A_4  : i32 {
      %mul3A_39 = arith.constant 16 : i32
      %mul3A_40 = arith.muli %scan3A_38, %mul3A_39 : i32
      %swap3A = arith.index_cast %mul3A_40 : i32 to index
      %swap3A_41 = tpu.vector_load %arg3[%swap3A] {strides = array<i32>} : memref<32768xf32, #tpu.memory_space<vmem>>, vector<16xf32>,
      %swap3A_42 = vector.shape_cast %swap3A_41 : vector<16xf32> to vector<16xf32>
      %swap3A_43 = vector.shape_cast %broadcast_in_dim3A_1 : vector<16xf32> to vector<16xf32>
      tpu.vector_store %arg3[%swap3A], %swap3A_43 {strides = array<i32>} : memref<32768xf32, #tpu.memory_space<vmem>>, vector<16xf32>,
    }
    %scan3A_5 = arith.constant 2048 : i32
    %mul3A_6 = arith.constant 131072 : i32
    %mul3A_7 = arith.muli %add3A, %mul3A_6 : i32
    %add3A_8 = arith.constant 0 : i32
    %add3A_9 = arith.addi %mul3A_7, %add3A_8 : i32
    %dma_start3A = tpu.memref_slice %arg2[%add3A_9] : memref<4194304xf32, #tpu.memory_space<hbm>> -> memref<32768xf32, #tpu.memory_space<hbm>>
    %dma_start3A_10 = tpu.memref_slice %arg2[%add3A_9] : memref<4194304xf32, #tpu.memory_space<hbm>> -> memref<32768xf32, #tpu.memory_space<hbm>>
    tpu.enqueue_dma source(%arg3 : memref<32768xf32, #tpu.memory_space<vmem>>) target(%dma_start3A_10 : memref<32768xf32, #tpu.memory_space<hbm>>) target_semaphore(%arg4 : memref<!tpu.dma_semaphore, #tpu.memory_space<semaphore_mem>>)
    %add3A_11 = arith.constant 32768 : i32
    %add3A_12 = arith.addi %mul3A_7, %add3A_11 : i32
    %dma_start3A_13 = tpu.memref_slice %arg2[%add3A_12] : memref<4194304xf32, #tpu.memory_space<hbm>> -> memref<32768xf32, #tpu.memory_space<hbm>>
    %dma_start3A_14 = tpu.memref_slice %arg2[%add3A_12] : memref<4194304xf32, #tpu.memory_space<hbm>> -> memref<32768xf32, #tpu.memory_space<hbm>>
    tpu.enqueue_dma source(%arg3 : memref<32768xf32, #tpu.memory_space<vmem>>) target(%dma_start3A_14 : memref<32768xf32, #tpu.memory_space<hbm>>) target_semaphore(%arg4 : memref<!tpu.dma_semaphore, #tpu.memory_space<semaphore_mem>>)
    %add3A_15 = arith.constant 65536 : i32
    %add3A_16 = arith.addi %mul3A_7, %add3A_15 : i32
    %dma_start3A_17 = tpu.memref_slice %arg2[%add3A_16] : memref<4194304xf32, #tpu.memory_space<hbm>> -> memref<32768xf32, #tpu.memory_space<hbm>>
    %dma_start3A_18 = tpu.memref_slice %arg2[%add3A_16] : memref<4194304xf32, #tpu.memory_space<hbm>> -> memref<32768xf32, #tpu.memory_space<hbm>>
    tpu.enqueue_dma source(%arg3 : memref<32768xf32, #tpu.memory_space<vmem>>) target(%dma_start3A_18 : memref<32768xf32, #tpu.memory_space<hbm>>) target_semaphore(%arg4 : memref<!tpu.dma_semaphore, #tpu.memory_space<semaphore_mem>>)
    %add3A_19 = arith.constant 98304 : i32
    %add3A_20 = arith.addi %mul3A_7, %add3A_19 : i32
    %dma_start3A_21 = tpu.memref_slice %arg2[%add3A_20] : memref<4194304xf32, #tpu.memory_space<hbm>> -> memref<32768xf32, #tpu.memory_space<hbm>>
    %dma_start3A_22 = tpu.memref_slice %arg2[%add3A_20] : memref<4194304xf32, #tpu.memory_space<hbm>> -> memref<32768xf32, #tpu.memory_space<hbm>>
    tpu.enqueue_dma source(%arg3 : memref<32768xf32, #tpu.memory_space<vmem>>) target(%dma_start3A_22 : memref<32768xf32, #tpu.memory_space<hbm>>) target_semaphore(%arg4 : memref<!tpu.dma_semaphore, #tpu.memory_space<semaphore_mem>>)
    %add3A_23 = arith.constant 0 : i32
    %add3A_24 = arith.addi %mul3A_7, %add3A_23 : i32
    %dma_wait3A = tpu.memref_slice %arg2[%add3A_24] : memref<4194304xf32, #tpu.memory_space<hbm>> -> memref<32768xf32, #tpu.memory_space<hbm>>
    %dma_wait3A_25 = tpu.memref_slice %arg2[%add3A_24] : memref<4194304xf32, #tpu.memory_space<hbm>> -> memref<32768xf32, #tpu.memory_space<hbm>>
    tpu.wait_dma2 semaphore(%arg4 : memref<!tpu.dma_semaphore, #tpu.memory_space<semaphore_mem>>) src(%arg3 : memref<32768xf32, #tpu.memory_space<vmem>>) dst(%dma_wait3A_25 : memref<32768xf32, #tpu.memory_space<hbm>>)
    %add3A_26 = arith.constant 32768 : i32
    %add3A_27 = arith.addi %mul3A_7, %add3A_26 : i32
    %dma_wait3A_28 = tpu.memref_slice %arg2[%add3A_27] : memref<4194304xf32, #tpu.memory_space<hbm>> -> memref<32768xf32, #tpu.memory_space<hbm>>
    %dma_wait3A_29 = tpu.memref_slice %arg2[%add3A_27] : memref<4194304xf32, #tpu.memory_space<hbm>> -> memref<32768xf32, #tpu.memory_space<hbm>>
    tpu.wait_dma2 semaphore(%arg4 : memref<!tpu.dma_semaphore, #tpu.memory_space<semaphore_mem>>) src(%arg3 : memref<32768xf32, #tpu.memory_space<vmem>>) dst(%dma_wait3A_29 : memref<32768xf32, #tpu.memory_space<hbm>>)
    %add3A_30 = arith.constant 65536 : i32
    %add3A_31 = arith.addi %mul3A_7, %add3A_30 : i32
    %dma_wait3A_32 = tpu.memref_slice %arg2[%add3A_31] : memref<4194304xf32, #tpu.memory_space<hbm>> -> memref<32768xf32, #tpu.memory_space<hbm>>
    %dma_wait3A_33 = tpu.memref_slice %arg2[%add3A_31] : memref<4194304xf32, #tpu.memory_space<hbm>> -> memref<32768xf32, #tpu.memory_space<hbm>>
    tpu.wait_dma2 semaphore(%arg4 : memref<!tpu.dma_semaphore, #tpu.memory_space<semaphore_mem>>) src(%arg3 : memref<32768xf32, #tpu.memory_space<vmem>>) dst(%dma_wait3A_33 : memref<32768xf32, #tpu.memory_space<hbm>>)
    %add3A_34 = arith.constant 98304 : i32
    %add3A_35 = arith.addi %mul3A_7, %add3A_34 : i32
    %dma_wait3A_36 = tpu.memref_slice %arg2[%add3A_35] : memref<4194304xf32, #tpu.memory_space<hbm>> -> memref<32768xf32, #tpu.memory_space<hbm>>
    %dma_wait3A_37 = tpu.memref_slice %arg2[%add3A_35] : memref<4194304xf32, #tpu.memory_space<hbm>> -> memref<32768xf32, #tpu.memory_space<hbm>>
    tpu.wait_dma2 semaphore(%arg4 : memref<!tpu.dma_semaphore, #tpu.memory_space<semaphore_mem>>) src(%arg3 : memref<32768xf32, #tpu.memory_space<vmem>>) dst(%dma_wait3A_37 : memref<32768xf32, #tpu.memory_space<hbm>>)
    return
  }
}

module attributes {stable_mosaic.version = 14 : i64} {
  func.func @_tc_reduce_body(%arg0: i32, %arg1: memref<8192x256xf32, #tpu.memory_space<vmem>>, %arg2: memref<1x1xf32, #tpu.memory_space<smem>>, %arg3: memref<1x1xf32, #tpu.memory_space<smem>>) attributes {dimension_semantics = [#tpu.dimension_semantics<arbitrary>], iteration_bounds = array<i64: 2>, scalar_prefetch = 0 : i64, scratch_operands = 0 : i64, tpu.core_type = #tpu.core_type<tc>, window_params = [{transform_indices = @transform_0, window_bounds = array<i64: 8192, 256>}, {transform_indices = @transform_1, window_bounds = array<i64: 1, 1>}, {transform_indices = @transform_2, window_bounds = array<i64: 1, 1>}]} {
    %get3A = arith.constant 0 : index
    %get3A_0 = arith.constant 0 : index
    %get3A_1 = vector.load %arg1[%get3A, %get3A_0] : memref<8192x256xf32, #tpu.memory_space<vmem>>, vector<8192x256xf32>
    %eq3A = arith.constant 0 : i32
    %eq3A_2 = arith.cmpi eq, %arg0, %eq3A : i32
    %convert_element_type3A = arith.extui %eq3A_2 : i1 to i32
    %cond3A = arith.constant 0 : i32
    %cond3A_3 = arith.cmpi ne, %convert_element_type3A, %cond3A : i32
    scf.if %cond3A_3 {
      %swap3A_20 = arith.constant 0.000000e+00 : f32
      %swap3A_21 = arith.constant 0 : index
      %swap3A_22 = arith.constant 0 : index
      %swap3A_23 = memref.load %arg2[%swap3A_21, %swap3A_22] : memref<1x1xf32, #tpu.memory_space<smem>>
      memref.store %swap3A_20, %arg2[%swap3A_21, %swap3A_22] : memref<1x1xf32, #tpu.memory_space<smem>>
      %swap3A_24 = arith.constant 1.000000e+00 : f32
      %swap3A_25 = arith.constant 0 : index
      %swap3A_26 = arith.constant 0 : index
      %swap3A_27 = memref.load %arg3[%swap3A_25, %swap3A_26] : memref<1x1xf32, #tpu.memory_space<smem>>
      memref.store %swap3A_24, %arg3[%swap3A_25, %swap3A_26] : memref<1x1xf32, #tpu.memory_space<smem>>
    } else {
    }
    %reshape3A = vector.shape_cast %get3A_1 : vector<8192x256xf32> to vector<512x16x256xf32>
    %get3A_4 = arith.constant 0 : index
    %get3A_5 = arith.constant 0 : index
    %get3A_6 = memref.load %arg2[%get3A_4, %get3A_5] : memref<1x1xf32, #tpu.memory_space<smem>>
    %mul3A = arith.mulf %reshape3A, %reshape3A : vector<512x16x256xf32>
    %reduce_sum3A = arith.constant dense<0.000000e+00> : vector<16x256xf32>
    %reduce_sum3A_7 = vector.multi_reduction <add>, %mul3A, %reduce_sum3A [0] : vector<512x16x256xf32> to vector<16x256xf32>
    %reduce_sum3A_8 = vector.shape_cast %reduce_sum3A_7 : vector<16x256xf32> to vector<1x16x256xf32>
    %reduce_sum3A_9 = arith.constant dense<0.000000e+00> : vector<1xf32>
    %reduce_sum3A_10 = vector.multi_reduction <add>, %reduce_sum3A_8, %reduce_sum3A_9 [1, 2] : vector<1x16x256xf32> to vector<1xf32>
    %reduce_sum3A_11 = vector.shape_cast %reduce_sum3A_10 : vector<1xf32> to vector<1x1x1xf32>
    %reduce_sum3A_12 = vector.extract %reduce_sum3A_11[0, 0, 0] : f32 from vector<1x1x1xf32>
    %add3A = arith.addf %get3A_6, %reduce_sum3A_12 : f32
    %swap3A = arith.constant 0 : index
    %swap3A_13 = arith.constant 0 : index
    %swap3A_14 = memref.load %arg2[%swap3A, %swap3A_13] : memref<1x1xf32, #tpu.memory_space<smem>>
    memref.store %add3A, %arg2[%swap3A, %swap3A_13] : memref<1x1xf32, #tpu.memory_space<smem>>
    %eq3A_15 = arith.constant 1 : i32
    %eq3A_16 = arith.cmpi eq, %arg0, %eq3A_15 : i32
    %convert_element_type3A_17 = arith.extui %eq3A_16 : i1 to i32
    %cond3A_18 = arith.constant 0 : i32
    %cond3A_19 = arith.cmpi ne, %convert_element_type3A_17, %cond3A_18 : i32
    scf.if %cond3A_19 {
      %get3A_20 = arith.constant 0 : index
      %get3A_21 = arith.constant 0 : index
      %get3A_22 = memref.load %arg2[%get3A_20, %get3A_21] : memref<1x1xf32, #tpu.memory_space<smem>>
      %mul3A_23 = arith.constant 2.98023224E-7 : f32
      %mul3A_24 = arith.mulf %get3A_22, %mul3A_23 : f32
      %swap3A_25 = arith.constant 0 : index
      %swap3A_26 = arith.constant 0 : index
      %swap3A_27 = memref.load %arg2[%swap3A_25, %swap3A_26] : memref<1x1xf32, #tpu.memory_space<smem>>
      memref.store %mul3A_24, %arg2[%swap3A_25, %swap3A_26] : memref<1x1xf32, #tpu.memory_space<smem>>
    } else {
    }
    return
  }
  func.func @transform_0(%arg0: i32) -> (i32, i32) {
    %c0_i32 = arith.constant 0 : i32
    %c0_i32_0 = arith.constant 0 : i32
    return %arg0, %c0_i32 : i32, i32
  }
  func.func @transform_1(%arg0: i32) -> (i32, i32) {
    %c0_i32 = arith.constant 0 : i32
    %c0_i32_0 = arith.constant 0 : i32
    %c0_i32_1 = arith.constant 0 : i32
    return %c0_i32, %c0_i32_0 : i32, i32
  }
  func.func @transform_2(%arg0: i32) -> (i32, i32) {
    %c0_i32 = arith.constant 0 : i32
    %c0_i32_0 = arith.constant 0 : i32
    %c0_i32_1 = arith.constant 0 : i32
    return %c0_i32, %c0_i32_0 : i32, i32
  }
}

</mosaic_0001>

<sc_bundles>
// kernel: kernel.4.cloned.1.call-start
scs
__scs_entry_jumppad:
0x0: {  	(pc) =	sbr.rel $0x88, $3  }
0x1: {  	(tag) =	ssettag $0x0;
	lr =	simm.s32 $0x1  }
0x2: {  	[smem:$0x3FA0] =	sst lr;
	_ =	strace $0xD0000000  }
0x3: {  	_ = 	snop  }
0x4: {  	_ = 	snop  }
0x5: {  	_ = 	snop  }
0x6: {  	_ = 	snop  }
0x7: {  	_ = 	snop  }
__scs_overlays_trampoline_lowered:
0x8: {  	[smem:$0x3FAF] =	sst s0  }
0x9: {  	[smem:$0x3FB0] =	sst s1  }
0xa: {  	[smem:$0x3FB1] =	sst s2  }
0xb: {  	[smem:$0x3FB2] =	sst s3  }
0xc: {  	[smem:$0x3FB3] =	sst s4  }
0xd: {  	[smem:$0x3FB4] =	sst s5  }
0xe: {  	[smem:$0x3FB5] =	sst s6  }
0xf: {  	[smem:$0x3FB6] =	sst s7  }
0x10: {  	[smem:$0x3FB7] =	sst s8  }
0x11: {  	[smem:$0x3FB8] =	sst s9;
	s0 =	simm.s32 @!p0 $0x0  }
0x12: {  	s1 =	sld [smem:$0x3F9E];
	s0 =	simm.s32 @p0 $0x1  }
0x13: {  	[smem:$0x3FB9] =	sst s0;
	s0 =	simm.s32 @!p1 $0x0  }
0x14: {  	s2 =	sld [smem:$0x3F9D];
	s0 =	simm.s32 @p1 $0x1  }
0x15: {  	[smem:$0x3FBA] =	sst s0;
	s0 =	simm.s32 @!p2 $0x0  }
0x16: {  	s3 =	sld [smem:$0x3FDB];
	s0 =	simm.s32 @p2 $0x1  }
0x17: {  	s4 =	simm.s32 $0x1BF5;
	[smem:$0x3FBC] =	sst s0  }
0x18: {  	s0 =	sld [smem:$0x3F9F];
	_ =	swait.ge [sflag:s4], $0x0  }
0x19: {  	s7 =	sld [smem:$0x3FA0]  }
0x1a: {  	s8 =	sadd.s32 $0xFFFFE003, lr  }
0x1b: {  	s9 =	sadd.s32 $0xFFFFFEF7, lr;
	s5 =	simm.s32 $0xFFFFFFFF;
	p2 =	slt.u32 s8, $0xFFFFF086  }
0x1c: {  	p1 =	slt.u32 s9, $0xF7A;
	s5 =	simm.s32 @!p2 $0x0  }
0x1d: {  	s5 =	simm.s32 @p1 $0x1;
	p0 =	seq.s32 s7, s2  }
0x1e: {  	s7 =	smul.u32 @!p0 $0xF7A, s2;
	p2 =	seq.s32 @!p0 s5, $0x0  }
0x1f: {  	s9 =	smul.u32 $0xF7A, s1;
	s8 =	simm.s32 @!p0 $0x1BF5;
	p2 =	por !p2, p0  }
0x20: {  	[sflag:s8] =	ssyncset.s32 @!p0 $0xFFFFF086;
	s6 =	sadd.s32 @!p0 s3, s7;
	s7 =	simm.s32 @!p0 $0x108  }
0x21: {  	s3 =	sadd.s32 s3, s9;
	s6 =	sadd.s32 @!p0 $0x88, s6;
	s7 =	simm.s32 @p2 $0x1082  }
0x22: {  	[simem:s7], [sflag:s8] =	dma.local @!p0 [hbm:s6], $0xF7A  }
0x23: {  	s9 =	sor.u32 $0xD0000000, s2;
	s6 =	simm.s32 $0x108;
	_ =	swait.ge @!p0 [sflag:s8], $0x0  }
0x24: {  	s3 =	sadd.s32 $0x88, s3;
	s6 =	simm.s32 @!p1 $0x1082;
	[sflag:s4] =	ssyncset.s32 $0xFFFFF086  }
0x25: {  	[simem:s6], [sflag:s4] =	dma.local [hbm:s3], $0xF7A  }
0x26: {  	[smem:$0x3FA0] =	sst s1;
	(tag) =	ssettag s2;
	_ =	strace s9  }
0x27: {  	s1 =	sld [smem:$0x3FB0]  }
0x28: {  	s2 =	sld [smem:$0x3FB1]  }
0x29: {  	s4 =	sld [smem:$0x3FB3]  }
0x2a: {  	p0 =	seq.s32 s5, $0x0;
	s5 =	sld [smem:$0x3FB4]  }
0x2b: {  	s6 =	sld [smem:$0x3FB5]  }
0x2c: {  	s7 =	sld [smem:$0x3FB6]  }
0x2d: {  	s3 =	simm.s32 $0x108;
	s8 =	sld [smem:$0x3FB7]  }
0x2e: {  	s3 =	simm.s32 @!p0 $0x1082;
	s9 =	sld [smem:$0x3FB8]  }
0x2f: {  	lr =	sadd.s32 s0, s3;
	s0 =	sld [smem:$0x3FAF]  }
0x30: {  	s3 =	sld [smem:$0x3FB2]  }
0x31: {  	[smem:$0x3FBB] =	sst s10  }
0x32: {  	s10 =	sld [smem:$0x3FB9];
	_ =	sdelay $0x3  }
0x33: {  	p0 =	seq.s32 s10, $0x1;
	s10 =	sld [smem:$0x3FBB];
	_ =	sdelay $0x3  }
0x34: {  	[smem:$0x3FBB] =	sst s10  }
0x35: {  	s10 =	sld [smem:$0x3FBA];
	_ =	sdelay $0x3  }
0x36: {  	p1 =	seq.s32 s10, $0x1;
	s10 =	sld [smem:$0x3FBB];
	_ =	sdelay $0x3  }
0x37: {  	[smem:$0x3FBB] =	sst s10  }
0x38: {  	s10 =	sld [smem:$0x3FBC]  }
0x39: {  	_ = 	snop;
	(pc) =	sbr.ind lr, $3  }
0x3a: {  	_ = 	snop  }
0x3b: {  	_ = 	snop  }
0x3c: {  	p2 =	seq.s32 s10, $0x1;
	s10 =	sld [smem:$0x3FBB]  }
0x3d: {  	_ =	shalt  }
0x3e: {  	_ =	shalt  }
0x3f: {  	_ =	shalt  }
0x40: {  	_ =	shalt  }
0x41: {  	_ =	shalt  }
0x42: {  	_ =	shalt  }
0x43: {  	_ =	shalt  }
0x44: {  	_ =	shalt  }
0x45: {  	_ =	shalt  }
0x46: {  	_ =	shalt  }
0x47: {  	_ =	shalt  }
0x48: {  	_ =	shalt  }
0x49: {  	_ =	shalt  }
0x4a: {  	_ =	shalt  }
0x4b: {  	_ =	shalt  }
0x4c: {  	_ =	shalt  }
0x4d: {  	_ =	shalt  }
0x4e: {  	_ =	shalt  }
0x4f: {  	_ =	shalt  }
0x50: {  	_ =	shalt  }
0x51: {  	_ =	shalt  }
0x52: {  	_ =	shalt  }
0x53: {  	_ =	shalt  }
0x54: {  	_ =	shalt  }
0x55: {  	_ =	shalt  }
0x56: {  	_ =	shalt  }
0x57: {  	_ =	shalt  }
0x58: {  	_ =	shalt  }
0x59: {  	_ =	shalt  }
0x5a: {  	_ =	shalt  }
0x5b: {  	_ =	shalt  }
0x5c: {  	_ =	shalt  }
0x5d: {  	_ =	shalt  }
0x5e: {  	_ =	shalt  }
0x5f: {  	_ =	shalt  }
0x60: {  	_ =	shalt  }
0x61: {  	_ =	shalt  }
0x62: {  	_ =	shalt  }
0x63: {  	_ =	shalt  }
0x64: {  	_ =	shalt  }
0x65: {  	_ =	shalt  }
0x66: {  	_ =	shalt  }
0x67: {  	_ =	shalt  }
0x68: {  	_ =	shalt  }
0x69: {  	_ =	shalt  }
0x6a: {  	_ =	shalt  }
0x6b: {  	_ =	shalt  }
0x6c: {  	_ =	shalt  }
0x6d: {  	_ =	shalt  }
0x6e: {  	_ =	shalt  }
0x6f: {  	_ =	shalt  }
0x70: {  	_ =	shalt  }
0x71: {  	_ =	shalt  }
0x72: {  	_ =	shalt  }
0x73: {  	_ =	shalt  }
0x74: {  	_ =	shalt  }
0x75: {  	_ =	shalt  }
0x76: {  	_ =	shalt  }
0x77: {  	_ =	shalt  }
0x78: {  	_ =	shalt  }
0x79: {  	_ =	shalt  }
0x7a: {  	_ =	shalt  }
0x7b: {  	_ =	shalt  }
0x7c: {  	_ =	shalt  }
0x7d: {  	_ =	shalt  }
0x7e: {  	_ =	shalt  }
0x7f: {  	_ =	shalt  }
0x80: {  	_ =	shalt  }
0x81: {  	_ =	shalt  }
0x82: {  	_ =	shalt  }
0x83: {  	_ =	shalt  }
0x84: {  	_ =	shalt  }
0x85: {  	_ =	shalt  }
0x86: {  	_ =	shalt  }
0x87: {  	_ =	shalt  }
.Lfunc_end0:
.L_simem_size_0:
called_computation_lowered:
.L_overlay_start_0:
0x88: {  	s2 =	sld [smem:$0x3FD9]  }
0x89: {  	s3 =	sld [smem:$0x3FFE];
	_ =	sdelay $0x1  }
0x8a: {  	s1 =	srdreg.scid  }
0x8b: {  	s0 =	sand.u32 $0x1, s1  }
0x8c: {  	s16 =	sshll.u32 s0, $0xA;
	s2 =	sadd.s32 s3, s2  }
0x8d: {  	s2 =	sadd.s32 s2, s16  }
0x8e: {  	[smem:$0x3FC7] =	sst s2  }
0x8f: {  	_ = 	snop  }
0x90: {  	(tm) =	ssettm $0x1  }
0x91: {  	s17 =	sld [smem:$0x3FFB];
	_ =	sdelay $0x3  }
0x92: {  	_ =	strace s17  }
0x93: {  	s2 =	sld [smem:$0x3FFC];
	_ =	sdelay $0x3  }
0x94: {  	_ =	strace s2  }
0x95: {  	s2 =	sld [smem:$0x3FFD];
	_ =	sdelay $0x3  }
0x96: {  	_ =	strace s2  }
0x97: {  	_ =	strace $0x8FFFFFFF  }
0x98: {  	s18 =	sld [smem:$0x3FDB];
	_ =	sdelay $0x1  }
0x99: {  	s19 =	simm.s32 $_scs_section_size  }
0x9a: {  	s4 =	simm.s32 $_size__tile_overlayer_lowered;
	s5 =	simm.s32 $_tile_overlayer_lowered  }
0x9b: {  	s22 =	simm.s32 $0x1BFF;
	s21 =	sshll.u32 s5, $0x1;
	s2 =	sadd.s32 s19, s18  }
0x9c: {  	s6 =	simm.s32 $0x0;
	s20 =	sshll.u32 s4, $0x1;
	s4 =	sadd.s32 s21, s2  }
0x9d: {  	[timem:s6], [sflag:s22] =	dma.local [hbm:s4], s20  }
0x9e: {  	_ =	swait.ge [sflag:s22], s20  }
0x9f: {  	s3 =	ssub.s32 $0x0, s20;
	[sflag:s22] =	ssyncset.done $0x0  }
0xa0: {  	[sflag:s22] =	ssyncadd.s32 s3;
	_ =	sdelay $0x1  }
0xa1: {  	s23 =	simm.s32 $0x1B8B  }
0xa2: {  	_ =	swait.ge [sflag:s23], $0x1  }
0xa3: {  	[sflag:s23] =	ssyncset.done $0x0  }
0xa4: {  	s25 =	simm.s32 $0x1B8E;
	s24 =	sld [smem:$0x3FFE];
	[sflag:s23] =	ssyncadd.s32 $0xFFFFFFFF  }
0xa5: {  	s26 =	simm.s32 $execute0_lowered;
	[smem:$0x3FD2] =	sst s25  }
0xa6: {  	s4 =	sshll.u32 s26, $0x1;
	_ =	strace $0x80000046;
	[dreg:$0x1] =	wrdreg $0xFFFFFFFF  }
0xa7: {  	s28 =	simm.s32 $_size_execute0_lowered;
	s2 =	sadd.s32 s2, s4;
	[dreg:$0x0] =	wrdreg $0x0  }
0xa8: {  	s4 =	sshll.u32 s28, $0x1;
	[dreg:$0x2] =	wrdreg s2  }
0xa9: {  	[dreg:$0x3] =	wrdreg s4  }
0xaa: {  	[dreg:$0x4] =	wrdreg $0xC0  }
0xab: {  	_ =	task [dreg:s6], $0x5FFFF  }
0xac: {  	[dreg:$0x1] =	wrdreg $0xFFFFFFFF  }
0xad: {  	[dreg:$0x0] =	wrdreg $0x60  }
0xae: {  	[dreg:$0x2] =	wrdreg s24  }
0xaf: {  	[dreg:$0x3] =	wrdreg $0x9  }
0xb0: {  	_ =	task.clear_ibuf [dreg:s6], $0x4FFFF;
	_ =	strace $0x90000046  }
0xb1: {  	s29 =	simm.s32 $0x9;
	_ =	strace $0x80000048  }
0xb2: {  	_ =	swait.ge [sflag:s29], $0x1  }
0xb3: {  	[sflag:s29] =	ssyncadd.s32 $0xFFFFFFFF  }
0xb4: {  	_ =	strace $0x90000048  }
0xb5: {  	_ =	sfence  }
0xb6: {  	s30 =	sld [smem:$0x0];
	_ =	sdelay $0x2  }
0xb7: {  	s31 =	sshll.u32 s1, $0xD;
	s1 =	sshrl.u32 s1, $0x2  }
0xb8: {  	s3 =	sand.u32 $0x4000, s31;
	s1 =	sadd.s32 s1, s30  }
0xb9: {  	s0 =	sor.u32 s3, s0;
	s1 =	sshll.u32 s1, $0x11  }
0xba: {  	s0 =	sor.u32 s1, s0  }
0xbb: {  	s0 =	sadd.s32 $0x8F2B, s0  }
0xbc: {  	[sflag:s0] =	ssyncadd.remote.s32 $0x1  }
0xbd: {  	_ =	sfence.sel $0xFFFF  }
0xbe: {  	[dreg:$0x0] =	wrdreg $0xFFFFFFFF;
	(pc) =	sbr.abs _section_cstart, $3  }
0xbf: {  	[dreg:$0x1] =	wrdreg $0xFFFFFFFF  }
0xc0: {  	_ =	task.clear_ibuf [dreg:s6], $0x2FFFF;
	_ =	strace $0x9FFFFFFF  }
0xc1: {  	(tm) =	ssettm $0x7FFFFFFF  }
tec
execute0_lowered:
.L_overlay_start_1:
0x0: {  	(tag) =	ssettag $0x1  }
0x1: {  	s0 =	srdreg.scid  }
0x2: {  	s3 =	rddreg [dreg:$0x0];
	s1 =	stileid.u32;
	s2 =	simm.s32 $0x0  }
0x3: {  	s8 =	simm.s32 $0x1;
	s9 =	simm.s32 $0x0;
	s4 =	sand.u32 $0x1, s0  }
0x4: {  	s0 =	rddreg [dreg:$0x1];
	s5 =	sshll.u32 s1, $0xF;
	s6 =	sshll.u32 s4, $0xE  }
0x5: {  	[smem:$0x7FF] =	sst s2;
	s4 =	ssub.s32 $0x2, s4;
	s5 =	sor.u32 s6, s5  }
0x6: {  	_ =	strace $0x80000047;
	s31 =	sshrl.u32 s4, $0x1;
	s6 =	sadd.s32 s5, s3  }
0x7: {  	s7 =	ssub.s32 s4, s31;
	s3 =	sadd.s32 $0x800, s6;
	s4 =	sadd.s32 $0x1800, s6  }
0x8: {  	v0 =	vimm.f32 $0.0e+00;
	s5 =	sadd.s32 $0x2800, s6;
	s6 =	sadd.s32 $0x3800, s6;
	s7 =	smax.u32 s7, $0x1  }
.LBB2_1:
0x9: {  	s10 =	simm.s32 $0x40;
	s11 =	simm.s32 $0x0  }
.LBB2_2:
0xa: {  	p0 =	sne.s32 s10, $0x1FFC0;
	[tilespmem:s11+$0x0] =	vst v0;
	s11 =	smov.u32 s10;
	s10 =	sadd.s32 $0x40, s10  }
.Ltmp0:
0xb: {  	(pc) =	sbr.rel @p0 .LBB2_2-.Ltmp0, $2  }
0xc: {  	_ =	sdelay $0x2  }
0xd: {  	s11 =	sshra.s32 s11, $0x2  }
0xe: {  	[tilespmem:s11+$0x0] =	vst v0  }
0xf: {  	[hbm4b:s3+s2] =	stream.linear.scatter [tilespmem:s2], [sflag:$0x1], $0x8000, $0x38;
	[tilespmem:$0x8000] =	vst v63  }
0x10: {  	_ = 	snop  }
0x11: {  	[hbm4b:s4+s2] =	stream.linear.scatter [tilespmem:s2], [sflag:$0x1], $0x8000, $0x38;
	[tilespmem:$0x8000] =	vst v63  }
0x12: {  	_ = 	snop  }
0x13: {  	[hbm4b:s5+s2] =	stream.linear.scatter [tilespmem:s2], [sflag:$0x1], $0x8000, $0x38;
	[tilespmem:$0x8000] =	vst v63  }
0x14: {  	_ = 	snop  }
0x15: {  	[hbm4b:s6+s2] =	stream.linear.scatter [tilespmem:s2], [sflag:$0x1], $0x8000, $0x38;
	[tilespmem:$0x8000] =	vst v63  }
0x16: {  	_ =	swait.ge [sflag:s8], $0x8000  }
0x17: {  	[sflag:s8] =	ssyncset.done $0x0  }
0x18: {  	[sflag:s8] =	ssyncadd.s32 $0xFFFF8000  }
0x19: {  	_ =	swait.ge [sflag:s8], $0x8000  }
0x1a: {  	[sflag:s8] =	ssyncset.done $0x0  }
0x1b: {  	s9 =	sadd.s32 $0x1, s9;
	[sflag:s8] =	ssyncadd.s32 $0xFFFF8000  }
0x1c: {  	p0 =	sne.s32 s9, s7;
	_ =	swait.ge [sflag:s8], $0x8000  }
.Ltmp1:
0x1d: {  	[sflag:s8] =	ssyncset.done $0x0;
	(pc) =	sbr.rel @p0 .LBB2_1-.Ltmp1, $4  }
0x1e: {  	[sflag:s8] =	ssyncadd.s32 $0xFFFF8000  }
0x1f: {  	_ =	swait.ge [sflag:s8], $0x8000  }
0x20: {  	[sflag:s8] =	ssyncset.done $0x0  }
0x21: {  	[sflag:s8] =	ssyncadd.s32 $0xFFFF8000  }
0x22: {  	_ =	sfence.sel $0x180000  }
0x23: {  	[bflag:$0x0] =	sbarrier.arrive $0xFFFF  }
0x24: {  	p0 =	sne.s32 s1, $0x0;
	_ =	strace $0x90000047  }
0x25: {  	s0 =	sadd.s32 @!p0 $0x100000, s0;
	[bflag:$0x2] =	sbarrier.arrive $0xFFFF  }
0x26: {  	[sflag:s0] =	ssyncadd.tile.s32 @!p0 $0x1;
	_ =	shalt  }
.Lfunc_end2:
_tile_overlayer_lowered:
.L_overlay_start_2:
0x27: {  	(tag) =	ssettag $0x2  }
0x28: {  	s0 =	rddreg [dreg:$0x0];
	s2 =	stileid.u32  }
0x29: {  	s1 =	rddreg [dreg:$0x1];
	p0 =	sne.s32 s2, $0x0  }
0x2a: {  	s3 =	rddreg [dreg:$0x2];
	[bflag:$0x3] =	sbarrier.arrive $0xFFFF;
	s2 =	simm.s32 @!p0 $0x1C02  }
0x2b: {  	[timem:s3], [sflag:s2] =	dma.local @!p0 [hbm:s0], s1  }
0x2c: {  	s0 =	simm.s32 @!p0 $0x2  }
0x2d: {  	_ =	swait.ge @!p0 [sflag:s0], s1  }
0x2e: {  	s1 =	ssub.s32 @!p0 $0x0, s1;
	[sflag:s0] =	ssyncset.done @!p0 $0x0  }
0x2f: {  	[sflag:s0] =	ssyncadd.s32 @!p0 s1  }
0x30: {  	[bflag:$0x3] =	sbarrier.arrive $0xFFFF  }
0x31: {  	_ =	shalt  }

</sc_bundles>
